<compile_context>
chip_gen: v7x
topology: tpu7x:2x2x1
jax: 0.10.2.dev20260603
libtpu: 0.0.44.dev20260713+nightly
codegen_flags: <defaults>
</compile_context>

<pallas_src>
import functools

import jax
import jax.numpy as jnp
from jax import lax
from jax.experimental import pallas as pl
from jax.experimental.pallas import tpu as pltpu
from jax.experimental.pallas import tpu_sc as plsc

NUM_CORES = 2
NUM_SUBCORES = 16
NUM_WORKERS = NUM_CORES * NUM_SUBCORES
CHUNK = 128
TPAD = 128
BR = 8192
BR9 = 8192


def _make_gather(B, V):
    b_per_w = B // NUM_WORKERS
    chunks_per_w = b_per_w // CHUNK

    mesh = plsc.VectorSubcoreMesh(core_axis_name="c", subcore_axis_name="s")

    @functools.partial(
        pl.kernel,
        mesh=mesh,
        out_type=jax.ShapeDtypeStruct((B, TPAD), jnp.float32),
        scratch_types=[
            pltpu.VMEM((b_per_w,), jnp.int32),
            pltpu.VMEM((b_per_w, TPAD), jnp.float32),
            pltpu.VMEM_SHARED((V, TPAD), jnp.float32),
            pltpu.SemaphoreType.DMA,
            pltpu.SemaphoreType.DMA,
        ],
    )
    def k(idx_hbm, table_hbm, emb_hbm, idx_v, emb_v, table_s, sg, so):
        wid = lax.axis_index("s") * NUM_CORES + lax.axis_index("c")
        base = wid * b_per_w
        @pl.when(lax.axis_index("s") == 0)
        def _stage():
            pltpu.sync_copy(table_hbm, table_s)

        pltpu.sync_copy(idx_hbm.at[pl.ds(base, b_per_w)], idx_v)
        plsc.subcore_barrier()
        cps = [
            pltpu.async_copy(
                table_s.at[idx_v.at[pl.ds(j * CHUNK, CHUNK)]],
                emb_v.at[pl.ds(j * CHUNK, CHUNK)],
                sg,
            )
            for j in range(chunks_per_w)
        ]
        half = (chunks_per_w // 2) * CHUNK
        for cp in cps[: chunks_per_w // 2]:
            cp.wait()
        w0 = pltpu.async_copy(
            emb_v.at[pl.ds(0, half)], emb_hbm.at[pl.ds(base, half)], so
        )
        for cp in cps[chunks_per_w // 2:]:
            cp.wait()
        w1 = pltpu.async_copy(
            emb_v.at[pl.ds(half, b_per_w - half)],
            emb_hbm.at[pl.ds(base + half, b_per_w - half)],
            so,
        )
        w0.wait()
        w1.wait()

    return k


def _cond_t_body(cond_ref, out_ref):
    out_ref[...] = cond_ref[...].T


def _make_cond_t(B, CD, OUT_D):
    return pl.pallas_call(
        _cond_t_body,
        grid=(B // BR,),
        in_specs=[pl.BlockSpec((BR, CD), lambda i: (i, 0))],
        out_specs=pl.BlockSpec((CD, BR), lambda i: (0, i)),
        out_shape=jax.ShapeDtypeStruct((OUT_D, B), jnp.float32),
        compiler_params=pltpu.CompilerParams(
            dimension_semantics=("arbitrary",),
        ),
    )


def _emb_insert_body(emb_ref, acc_ref, out_ref):
    del acc_ref
    out_ref[...] = emb_ref[:, : out_ref.shape[0]].T


def _make_emb_insert(B, CD, D, OUT_D):
    assert CD % D == 0
    return pl.pallas_call(
        _emb_insert_body,
        grid=(B // BR9,),
        in_specs=[
            pl.BlockSpec((BR9, TPAD), lambda i: (i, 0)),
            pl.BlockSpec(memory_space=pl.ANY),
        ],
        out_specs=pl.BlockSpec((D, BR9), lambda i: (CD // D, i)),
        out_shape=jax.ShapeDtypeStruct((OUT_D, B), jnp.float32),
        input_output_aliases={1: 0},
        compiler_params=pltpu.CompilerParams(
            dimension_semantics=("arbitrary",),
        ),
    )


def kernel(cond, task_ids, table):
    B, CD = cond.shape
    V, D = table.shape
    idx = task_ids.astype(jnp.int32)
    acc_t = _make_cond_t(B, CD, CD + D)(cond)
    table_p = jnp.pad(table, ((0, 0), (0, TPAD - D)))
    emb = _make_gather(B, V)(idx, table_p)
    out_t = _make_emb_insert(B, CD, D, CD + D)(emb, acc_t)
    return out_t.T

# --- scband reference (transcript-rebuilt; emitter-appended) ---
"""Pipeline reference for scband-multi-task-agent-23158463660074 (READ-ONLY COPY).

The authoritative reference and input builder live on the scoring server;
editing this copy changes nothing except your own understanding.
"""

import jax, jax.numpy as jnp
import numpy as np

NUM_TASKS = 1000
EMB_DIM = 64
BATCH = 16384
COND_DIM = 256


def setup_inputs(seed: int = 0) -> dict:
    key = jax.random.key(seed)
    k1, k2, k3 = jax.random.split(key, 3)
    cond = jax.random.normal(k1, (BATCH, COND_DIM), dtype=jnp.float32)
    task_ids = jax.random.randint(k2, (BATCH,), 0, NUM_TASKS, dtype=jnp.int64 if jax.config.read('jax_enable_x64') else jnp.int32)
    # learned embedding table, init std=0.02 per nn.init.normal_(weight, std=0.02)
    table = 0.02 * jax.random.normal(k3, (NUM_TASKS, EMB_DIM), dtype=jnp.float32)
    return {"cond": cond, "task_ids": task_ids, "table": table}


def reference(cond, task_ids, table):
    # TaskEmbedding.forward: squeeze handled implicitly (task_ids is 1-D),
    # embedding lookup (dropout=0 -> identity)
    task_emb = jnp.take(table, task_ids, axis=0)  # (B, emb_dim)
    # MultiTaskAgent._inject_task_condition: concat along last dim
    cond_with_task = jnp.concatenate([cond, task_emb], axis=-1)  # (B, cond_dim+emb_dim)
    return cond_with_task

if __name__ == "__main__":
    import jax
    _d = setup_inputs()
    print(jax.jit(kernel)(*tuple(_d.values())))

</pallas_src>

<mosaic_0001>
#map = affine_map<(d0, d1) -> (0)>
#map1 = affine_map<(d0, d1) -> (0, 0)>
module attributes {stable_mosaic.version = 14 : i64} {
  func.func @k(%arg0: i32, %arg1: i32, %arg2: memref<16384xi32, #tpu.memory_space<hbm>>, %arg3: memref<1000x128xf32, #tpu.memory_space<hbm>>, %arg4: memref<16384x128xf32, #tpu.memory_space<hbm>>, %arg5: memref<512xi32, #tpu.memory_space<vmem>>, %arg6: memref<512x128xf32, #tpu.memory_space<vmem>>, %arg7: memref<1000x128xf32, #tpu.memory_space<vmem_shared>>, %arg8: memref<!tpu.dma_semaphore, #tpu.memory_space<semaphore_mem>>, %arg9: memref<!tpu.dma_semaphore, #tpu.memory_space<semaphore_mem>>) attributes {dimension_semantics = [#tpu.dimension_semantics<core_parallel>, #tpu.dimension_semantics<subcore_parallel>], iteration_bounds = array<i64: 2, 16>, scalar_prefetch = 0 : i64, scratch_operands = 5 : i64, tpu.core_type = #tpu.core_type<sc_vector_subcore>, window_params = [{transform_indices = #map}, {transform_indices = #map1}, {transform_indices = #map1}]} {
    %mul3A = arith.constant 2 : i32
    %mul3A_0 = arith.muli %arg1, %mul3A : i32
    %add3A = arith.addi %mul3A_0, %arg0 : i32
    %mul3A_1 = arith.constant 512 : i32
    %mul3A_2 = arith.muli %add3A, %mul3A_1 : i32
    %eq3A = arith.constant 0 : i32
    %eq3A_3 = arith.cmpi eq, %arg1, %eq3A : i32
    %convert_element_type3A = arith.extui %eq3A_3 : i1 to i32
    %cond3A = arith.constant 0 : i32
    %cond3A_4 = arith.cmpi ne, %convert_element_type3A, %cond3A : i32
    scf.if %cond3A_4 {
      "tpu.region"() ({
        %run_scoped3A = tpu.sem_alloc : memref<!tpu.dma_semaphore, #tpu.memory_space<semaphore_mem>>
        tpu.enqueue_dma source(%arg3 : memref<1000x128xf32, #tpu.memory_space<hbm>>) target(%arg7 : memref<1000x128xf32, #tpu.memory_space<vmem_shared>>) target_semaphore(%run_scoped3A : memref<!tpu.dma_semaphore, #tpu.memory_space<semaphore_mem>>)
        tpu.wait_dma2 semaphore(%run_scoped3A : memref<!tpu.dma_semaphore, #tpu.memory_space<semaphore_mem>>) src(%arg3 : memref<1000x128xf32, #tpu.memory_space<hbm>>) dst(%arg7 : memref<1000x128xf32, #tpu.memory_space<vmem_shared>>)
        tpu.yield
      }) : () -> ()
    } else {
    }
    "tpu.region"() ({
      %run_scoped3A = tpu.sem_alloc : memref<!tpu.dma_semaphore, #tpu.memory_space<semaphore_mem>>
      %dma_start3A_109 = tpu.memref_slice %arg2[%mul3A_2] : memref<16384xi32, #tpu.memory_space<hbm>> -> memref<512xi32, #tpu.memory_space<hbm>>
      %dma_start3A_110 = tpu.memref_slice %arg2[%mul3A_2] : memref<16384xi32, #tpu.memory_space<hbm>> -> memref<512xi32, #tpu.memory_space<hbm>>
      tpu.enqueue_dma source(%dma_start3A_110 : memref<512xi32, #tpu.memory_space<hbm>>) target(%arg5 : memref<512xi32, #tpu.memory_space<vmem>>) target_semaphore(%run_scoped3A : memref<!tpu.dma_semaphore, #tpu.memory_space<semaphore_mem>>)
      %dma_wait3A_111 = tpu.memref_slice %arg2[%mul3A_2] : memref<16384xi32, #tpu.memory_space<hbm>> -> memref<512xi32, #tpu.memory_space<hbm>>
      %dma_wait3A_112 = tpu.memref_slice %arg2[%mul3A_2] : memref<16384xi32, #tpu.memory_space<hbm>> -> memref<512xi32, #tpu.memory_space<hbm>>
      tpu.wait_dma2 semaphore(%run_scoped3A : memref<!tpu.dma_semaphore, #tpu.memory_space<semaphore_mem>>) src(%dma_wait3A_112 : memref<512xi32, #tpu.memory_space<hbm>>) dst(%arg5 : memref<512xi32, #tpu.memory_space<vmem>>)
      tpu.yield
    }) : () -> ()
    %barrier3A = arith.constant 0 : index
    tpu.barrier barrier_id(%barrier3A)
    %dma_start3A = arith.constant 0 : i32
    %dma_start3A_5 = arith.constant 0 : i32
    %dma_start3A_6 = tpu.memref_slice %arg6[%dma_start3A, %dma_start3A_5] : memref<512x128xf32, #tpu.memory_space<vmem>> -> memref<128x128xf32, #tpu.memory_space<vmem>>
    %dma_start3A_7 = arith.constant 0 : i32
    %dma_start3A_8 = tpu.memref_slice %arg5[%dma_start3A_7] : memref<512xi32, #tpu.memory_space<vmem>> -> memref<128xi32, #tpu.memory_space<vmem>>
    %dma_start3A_9 = arith.constant 0 : i32
    %dma_start3A_10 = arith.constant 0 : i32
    %dma_start3A_11 = tpu.memref_slice %arg7[%dma_start3A_9, %dma_start3A_10] : memref<1000x128xf32, #tpu.memory_space<vmem_shared>> -> memref<1000x128xf32, #tpu.memory_space<vmem_shared>>
    tpu.enqueue_indirect_dma source(%dma_start3A_11 : memref<1000x128xf32, #tpu.memory_space<vmem_shared>>) target(%dma_start3A_6 : memref<128x128xf32, #tpu.memory_space<vmem>>) offsets(%dma_start3A_8 : memref<128xi32, #tpu.memory_space<vmem>>) semaphore(%arg8 : memref<!tpu.dma_semaphore, #tpu.memory_space<semaphore_mem>>)
    %dma_start3A_12 = arith.constant 128 : i32
    %dma_start3A_13 = arith.constant 0 : i32
    %dma_start3A_14 = tpu.memref_slice %arg6[%dma_start3A_12, %dma_start3A_13] : memref<512x128xf32, #tpu.memory_space<vmem>> -> memref<128x128xf32, #tpu.memory_space<vmem>>
    %dma_start3A_15 = arith.constant 128 : i32
    %dma_start3A_16 = tpu.memref_slice %arg5[%dma_start3A_15] : memref<512xi32, #tpu.memory_space<vmem>> -> memref<128xi32, #tpu.memory_space<vmem>>
    %dma_start3A_17 = arith.constant 0 : i32
    %dma_start3A_18 = arith.constant 0 : i32
    %dma_start3A_19 = tpu.memref_slice %arg7[%dma_start3A_17, %dma_start3A_18] : memref<1000x128xf32, #tpu.memory_space<vmem_shared>> -> memref<1000x128xf32, #tpu.memory_space<vmem_shared>>
    tpu.enqueue_indirect_dma source(%dma_start3A_19 : memref<1000x128xf32, #tpu.memory_space<vmem_shared>>) target(%dma_start3A_14 : memref<128x128xf32, #tpu.memory_space<vmem>>) offsets(%dma_start3A_16 : memref<128xi32, #tpu.memory_space<vmem>>) semaphore(%arg8 : memref<!tpu.dma_semaphore, #tpu.memory_space<semaphore_mem>>)
    %dma_start3A_20 = arith.constant 256 : i32
    %dma_start3A_21 = arith.constant 0 : i32
    %dma_start3A_22 = tpu.memref_slice %arg6[%dma_start3A_20, %dma_start3A_21] : memref<512x128xf32, #tpu.memory_space<vmem>> -> memref<128x128xf32, #tpu.memory_space<vmem>>
    %dma_start3A_23 = arith.constant 256 : i32
    %dma_start3A_24 = tpu.memref_slice %arg5[%dma_start3A_23] : memref<512xi32, #tpu.memory_space<vmem>> -> memref<128xi32, #tpu.memory_space<vmem>>
    %dma_start3A_25 = arith.constant 0 : i32
    %dma_start3A_26 = arith.constant 0 : i32
    %dma_start3A_27 = tpu.memref_slice %arg7[%dma_start3A_25, %dma_start3A_26] : memref<1000x128xf32, #tpu.memory_space<vmem_shared>> -> memref<1000x128xf32, #tpu.memory_space<vmem_shared>>
    tpu.enqueue_indirect_dma source(%dma_start3A_27 : memref<1000x128xf32, #tpu.memory_space<vmem_shared>>) target(%dma_start3A_22 : memref<128x128xf32, #tpu.memory_space<vmem>>) offsets(%dma_start3A_24 : memref<128xi32, #tpu.memory_space<vmem>>) semaphore(%arg8 : memref<!tpu.dma_semaphore, #tpu.memory_space<semaphore_mem>>)
    %dma_start3A_28 = arith.constant 384 : i32
    %dma_start3A_29 = arith.constant 0 : i32
    %dma_start3A_30 = tpu.memref_slice %arg6[%dma_start3A_28, %dma_start3A_29] : memref<512x128xf32, #tpu.memory_space<vmem>> -> memref<128x128xf32, #tpu.memory_space<vmem>>
    %dma_start3A_31 = arith.constant 384 : i32
    %dma_start3A_32 = tpu.memref_slice %arg5[%dma_start3A_31] : memref<512xi32, #tpu.memory_space<vmem>> -> memref<128xi32, #tpu.memory_space<vmem>>
    %dma_start3A_33 = arith.constant 0 : i32
    %dma_start3A_34 = arith.constant 0 : i32
    %dma_start3A_35 = tpu.memref_slice %arg7[%dma_start3A_33, %dma_start3A_34] : memref<1000x128xf32, #tpu.memory_space<vmem_shared>> -> memref<1000x128xf32, #tpu.memory_space<vmem_shared>>
    tpu.enqueue_indirect_dma source(%dma_start3A_35 : memref<1000x128xf32, #tpu.memory_space<vmem_shared>>) target(%dma_start3A_30 : memref<128x128xf32, #tpu.memory_space<vmem>>) offsets(%dma_start3A_32 : memref<128xi32, #tpu.memory_space<vmem>>) semaphore(%arg8 : memref<!tpu.dma_semaphore, #tpu.memory_space<semaphore_mem>>)
    %dma_wait3A = arith.constant 0 : i32
    %dma_wait3A_36 = arith.constant 0 : i32
    %dma_wait3A_37 = tpu.memref_slice %arg6[%dma_wait3A, %dma_wait3A_36] : memref<512x128xf32, #tpu.memory_space<vmem>> -> memref<128x128xf32, #tpu.memory_space<vmem>>
    %dma_wait3A_38 = arith.constant 0 : i32
    %dma_wait3A_39 = tpu.memref_slice %arg5[%dma_wait3A_38] : memref<512xi32, #tpu.memory_space<vmem>> -> memref<128xi32, #tpu.memory_space<vmem>>
    %dma_wait3A_40 = arith.constant 0 : i32
    %dma_wait3A_41 = arith.constant 0 : i32
    %dma_wait3A_42 = tpu.memref_slice %arg7[%dma_wait3A_40, %dma_wait3A_41] : memref<1000x128xf32, #tpu.memory_space<vmem_shared>> -> memref<1000x128xf32, #tpu.memory_space<vmem_shared>>
    tpu.wait_indirect_dma semaphore(%arg8 : memref<!tpu.dma_semaphore, #tpu.memory_space<semaphore_mem>>) src(%dma_wait3A_42 : memref<1000x128xf32, #tpu.memory_space<vmem_shared>>) dst(%dma_wait3A_37 : memref<128x128xf32, #tpu.memory_space<vmem>>)
    %dma_wait3A_43 = arith.constant 128 : i32
    %dma_wait3A_44 = arith.constant 0 : i32
    %dma_wait3A_45 = tpu.memref_slice %arg6[%dma_wait3A_43, %dma_wait3A_44] : memref<512x128xf32, #tpu.memory_space<vmem>> -> memref<128x128xf32, #tpu.memory_space<vmem>>
    %dma_wait3A_46 = arith.constant 128 : i32
    %dma_wait3A_47 = tpu.memref_slice %arg5[%dma_wait3A_46] : memref<512xi32, #tpu.memory_space<vmem>> -> memref<128xi32, #tpu.memory_space<vmem>>
    %dma_wait3A_48 = arith.constant 0 : i32
    %dma_wait3A_49 = arith.constant 0 : i32
    %dma_wait3A_50 = tpu.memref_slice %arg7[%dma_wait3A_48, %dma_wait3A_49] : memref<1000x128xf32, #tpu.memory_space<vmem_shared>> -> memref<1000x128xf32, #tpu.memory_space<vmem_shared>>
    tpu.wait_indirect_dma semaphore(%arg8 : memref<!tpu.dma_semaphore, #tpu.memory_space<semaphore_mem>>) src(%dma_wait3A_50 : memref<1000x128xf32, #tpu.memory_space<vmem_shared>>) dst(%dma_wait3A_45 : memref<128x128xf32, #tpu.memory_space<vmem>>)
    %dma_start3A_51 = arith.constant 0 : i32
    %dma_start3A_52 = arith.constant 0 : i32
    %dma_start3A_53 = tpu.memref_slice %arg6[%dma_start3A_51, %dma_start3A_52] : memref<512x128xf32, #tpu.memory_space<vmem>> -> memref<256x128xf32, #tpu.memory_space<vmem>>
    %dma_start3A_54 = arith.constant 0 : i32
    %dma_start3A_55 = tpu.memref_slice %arg4[%mul3A_2, %dma_start3A_54] : memref<16384x128xf32, #tpu.memory_space<hbm>> -> memref<256x128xf32, #tpu.memory_space<hbm>>
    %dma_start3A_56 = arith.constant 0 : i32
    %dma_start3A_57 = tpu.memref_slice %arg4[%mul3A_2, %dma_start3A_56] : memref<16384x128xf32, #tpu.memory_space<hbm>> -> memref<256x128xf32, #tpu.memory_space<hbm>>
    %dma_start3A_58 = arith.constant 0 : i32
    %dma_start3A_59 = arith.constant 0 : i32
    %dma_start3A_60 = tpu.memref_slice %arg6[%dma_start3A_58, %dma_start3A_59] : memref<512x128xf32, #tpu.memory_space<vmem>> -> memref<256x128xf32, #tpu.memory_space<vmem>>
    tpu.enqueue_dma source(%dma_start3A_60 : memref<256x128xf32, #tpu.memory_space<vmem>>) target(%dma_start3A_57 : memref<256x128xf32, #tpu.memory_space<hbm>>) target_semaphore(%arg9 : memref<!tpu.dma_semaphore, #tpu.memory_space<semaphore_mem>>)
    %dma_wait3A_61 = arith.constant 256 : i32
    %dma_wait3A_62 = arith.constant 0 : i32
    %dma_wait3A_63 = tpu.memref_slice %arg6[%dma_wait3A_61, %dma_wait3A_62] : memref<512x128xf32, #tpu.memory_space<vmem>> -> memref<128x128xf32, #tpu.memory_space<vmem>>
    %dma_wait3A_64 = arith.constant 256 : i32
    %dma_wait3A_65 = tpu.memref_slice %arg5[%dma_wait3A_64] : memref<512xi32, #tpu.memory_space<vmem>> -> memref<128xi32, #tpu.memory_space<vmem>>
    %dma_wait3A_66 = arith.constant 0 : i32
    %dma_wait3A_67 = arith.constant 0 : i32
    %dma_wait3A_68 = tpu.memref_slice %arg7[%dma_wait3A_66, %dma_wait3A_67] : memref<1000x128xf32, #tpu.memory_space<vmem_shared>> -> memref<1000x128xf32, #tpu.memory_space<vmem_shared>>
    tpu.wait_indirect_dma semaphore(%arg8 : memref<!tpu.dma_semaphore, #tpu.memory_space<semaphore_mem>>) src(%dma_wait3A_68 : memref<1000x128xf32, #tpu.memory_space<vmem_shared>>) dst(%dma_wait3A_63 : memref<128x128xf32, #tpu.memory_space<vmem>>)
    %dma_wait3A_69 = arith.constant 384 : i32
    %dma_wait3A_70 = arith.constant 0 : i32
    %dma_wait3A_71 = tpu.memref_slice %arg6[%dma_wait3A_69, %dma_wait3A_70] : memref<512x128xf32, #tpu.memory_space<vmem>> -> memref<128x128xf32, #tpu.memory_space<vmem>>
    %dma_wait3A_72 = arith.constant 384 : i32
    %dma_wait3A_73 = tpu.memref_slice %arg5[%dma_wait3A_72] : memref<512xi32, #tpu.memory_space<vmem>> -> memref<128xi32, #tpu.memory_space<vmem>>
    %dma_wait3A_74 = arith.constant 0 : i32
    %dma_wait3A_75 = arith.constant 0 : i32
    %dma_wait3A_76 = tpu.memref_slice %arg7[%dma_wait3A_74, %dma_wait3A_75] : memref<1000x128xf32, #tpu.memory_space<vmem_shared>> -> memref<1000x128xf32, #tpu.memory_space<vmem_shared>>
    tpu.wait_indirect_dma semaphore(%arg8 : memref<!tpu.dma_semaphore, #tpu.memory_space<semaphore_mem>>) src(%dma_wait3A_76 : memref<1000x128xf32, #tpu.memory_space<vmem_shared>>) dst(%dma_wait3A_71 : memref<128x128xf32, #tpu.memory_space<vmem>>)
    %add3A_77 = arith.constant 256 : i32
    %add3A_78 = arith.addi %mul3A_2, %add3A_77 : i32
    %dma_start3A_79 = arith.constant 256 : i32
    %dma_start3A_80 = arith.constant 0 : i32
    %dma_start3A_81 = tpu.memref_slice %arg6[%dma_start3A_79, %dma_start3A_80] : memref<512x128xf32, #tpu.memory_space<vmem>> -> memref<256x128xf32, #tpu.memory_space<vmem>>
    %dma_start3A_82 = arith.constant 0 : i32
    %dma_start3A_83 = tpu.memref_slice %arg4[%add3A_78, %dma_start3A_82] : memref<16384x128xf32, #tpu.memory_space<hbm>> -> memref<256x128xf32, #tpu.memory_space<hbm>>
    %dma_start3A_84 = arith.constant 0 : i32
    %dma_start3A_85 = tpu.memref_slice %arg4[%add3A_78, %dma_start3A_84] : memref<16384x128xf32, #tpu.memory_space<hbm>> -> memref<256x128xf32, #tpu.memory_space<hbm>>
    %dma_start3A_86 = arith.constant 256 : i32
    %dma_start3A_87 = arith.constant 0 : i32
    %dma_start3A_88 = tpu.memref_slice %arg6[%dma_start3A_86, %dma_start3A_87] : memref<512x128xf32, #tpu.memory_space<vmem>> -> memref<256x128xf32, #tpu.memory_space<vmem>>
    tpu.enqueue_dma source(%dma_start3A_88 : memref<256x128xf32, #tpu.memory_space<vmem>>) target(%dma_start3A_85 : memref<256x128xf32, #tpu.memory_space<hbm>>) target_semaphore(%arg9 : memref<!tpu.dma_semaphore, #tpu.memory_space<semaphore_mem>>)
    %dma_wait3A_89 = arith.constant 0 : i32
    %dma_wait3A_90 = arith.constant 0 : i32
    %dma_wait3A_91 = tpu.memref_slice %arg6[%dma_wait3A_89, %dma_wait3A_90] : memref<512x128xf32, #tpu.memory_space<vmem>> -> memref<256x128xf32, #tpu.memory_space<vmem>>
    %dma_wait3A_92 = arith.constant 0 : i32
    %dma_wait3A_93 = tpu.memref_slice %arg4[%mul3A_2, %dma_wait3A_92] : memref<16384x128xf32, #tpu.memory_space<hbm>> -> memref<256x128xf32, #tpu.memory_space<hbm>>
    %dma_wait3A_94 = arith.constant 0 : i32
    %dma_wait3A_95 = tpu.memref_slice %arg4[%mul3A_2, %dma_wait3A_94] : memref<16384x128xf32, #tpu.memory_space<hbm>> -> memref<256x128xf32, #tpu.memory_space<hbm>>
    %dma_wait3A_96 = arith.constant 0 : i32
    %dma_wait3A_97 = arith.constant 0 : i32
    %dma_wait3A_98 = tpu.memref_slice %arg6[%dma_wait3A_96, %dma_wait3A_97] : memref<512x128xf32, #tpu.memory_space<vmem>> -> memref<256x128xf32, #tpu.memory_space<vmem>>
    tpu.wait_dma2 semaphore(%arg9 : memref<!tpu.dma_semaphore, #tpu.memory_space<semaphore_mem>>) src(%dma_wait3A_98 : memref<256x128xf32, #tpu.memory_space<vmem>>) dst(%dma_wait3A_95 : memref<256x128xf32, #tpu.memory_space<hbm>>)
    %dma_wait3A_99 = arith.constant 256 : i32
    %dma_wait3A_100 = arith.constant 0 : i32
    %dma_wait3A_101 = tpu.memref_slice %arg6[%dma_wait3A_99, %dma_wait3A_100] : memref<512x128xf32, #tpu.memory_space<vmem>> -> memref<256x128xf32, #tpu.memory_space<vmem>>
    %dma_wait3A_102 = arith.constant 0 : i32
    %dma_wait3A_103 = tpu.memref_slice %arg4[%add3A_78, %dma_wait3A_102] : memref<16384x128xf32, #tpu.memory_space<hbm>> -> memref<256x128xf32, #tpu.memory_space<hbm>>
    %dma_wait3A_104 = arith.constant 0 : i32
    %dma_wait3A_105 = tpu.memref_slice %arg4[%add3A_78, %dma_wait3A_104] : memref<16384x128xf32, #tpu.memory_space<hbm>> -> memref<256x128xf32, #tpu.memory_space<hbm>>
    %dma_wait3A_106 = arith.constant 256 : i32
    %dma_wait3A_107 = arith.constant 0 : i32
    %dma_wait3A_108 = tpu.memref_slice %arg6[%dma_wait3A_106, %dma_wait3A_107] : memref<512x128xf32, #tpu.memory_space<vmem>> -> memref<256x128xf32, #tpu.memory_space<vmem>>
    tpu.wait_dma2 semaphore(%arg9 : memref<!tpu.dma_semaphore, #tpu.memory_space<semaphore_mem>>) src(%dma_wait3A_108 : memref<256x128xf32, #tpu.memory_space<vmem>>) dst(%dma_wait3A_105 : memref<256x128xf32, #tpu.memory_space<hbm>>)
    return
  }
}

module attributes {stable_mosaic.version = 14 : i64} {
  func.func @_emb_insert_body(%arg0: i32, %arg1: memref<8192x128xf32, #tpu.memory_space<vmem>>, %arg2: memref<320x16384xf32, #tpu.memory_space<any>>, %arg3: memref<64x8192xf32, #tpu.memory_space<vmem>>) attributes {dimension_semantics = [#tpu.dimension_semantics<arbitrary>], iteration_bounds = array<i64: 2>, scalar_prefetch = 0 : i64, scratch_operands = 0 : i64, tpu.core_type = #tpu.core_type<tc>, window_params = [{transform_indices = @transform_0, window_bounds = array<i64: 8192, 128>}, {}, {transform_indices = @transform_2, window_bounds = array<i64: 64, 8192>}]} {
    %get3A = arith.constant 0 : index
    %get3A_0 = arith.constant 0 : index
    %get3A_1 = vector.load %arg1[%get3A, %get3A_0] : memref<8192x128xf32, #tpu.memory_space<vmem>>, vector<8192x64xf32>
    %transpose3A = tpu.transpose %get3A_1, [1, 0] : vector<8192x64xf32> -> vector<64x8192xf32>
    %swap3A = arith.constant 0 : index
    %swap3A_2 = arith.constant 0 : index
    %swap3A_3 = vector.load %arg3[%swap3A, %swap3A_2] : memref<64x8192xf32, #tpu.memory_space<vmem>>, vector<64x8192xf32>
    tpu.vector_store %arg3[%swap3A, %swap3A_2], %transpose3A {strides = array<i32>} : memref<64x8192xf32, #tpu.memory_space<vmem>>, vector<64x8192xf32>,
    return
  }
  func.func @transform_0(%arg0: i32) -> (i32, i32) {
    %c0_i32 = arith.constant 0 : i32
    %c0_i32_0 = arith.constant 0 : i32
    return %arg0, %c0_i32 : i32, i32
  }
  func.func @transform_2(%arg0: i32) -> (i32, i32) {
    %c4_i32 = arith.constant 4 : i32
    %c0_i32 = arith.constant 0 : i32
    return %c4_i32, %arg0 : i32, i32
  }
}

module attributes {stable_mosaic.version = 14 : i64} {
  func.func @_cond_t_body(%arg0: i32, %arg1: memref<8192x256xf32, #tpu.memory_space<vmem>>, %arg2: memref<256x8192xf32, #tpu.memory_space<vmem>>) attributes {dimension_semantics = [#tpu.dimension_semantics<arbitrary>], iteration_bounds = array<i64: 2>, scalar_prefetch = 0 : i64, scratch_operands = 0 : i64, tpu.core_type = #tpu.core_type<tc>, window_params = [{transform_indices = @transform_0, window_bounds = array<i64: 8192, 256>}, {transform_indices = @transform_1, window_bounds = array<i64: 256, 8192>}]} {
    %get3A = arith.constant 0 : index
    %get3A_0 = arith.constant 0 : index
    %get3A_1 = vector.load %arg1[%get3A, %get3A_0] : memref<8192x256xf32, #tpu.memory_space<vmem>>, vector<8192x256xf32>
    %transpose3A = tpu.transpose %get3A_1, [1, 0] : vector<8192x256xf32> -> vector<256x8192xf32>
    %swap3A = arith.constant 0 : index
    %swap3A_2 = arith.constant 0 : index
    %swap3A_3 = vector.load %arg2[%swap3A, %swap3A_2] : memref<256x8192xf32, #tpu.memory_space<vmem>>, vector<256x8192xf32>
    tpu.vector_store %arg2[%swap3A, %swap3A_2], %transpose3A {strides = array<i32>} : memref<256x8192xf32, #tpu.memory_space<vmem>>, vector<256x8192xf32>,
    return
  }
  func.func @transform_0(%arg0: i32) -> (i32, i32) {
    %c0_i32 = arith.constant 0 : i32
    %c0_i32_0 = arith.constant 0 : i32
    return %arg0, %c0_i32 : i32, i32
  }
  func.func @transform_1(%arg0: i32) -> (i32, i32) {
    %c0_i32 = arith.constant 0 : i32
    %c0_i32_0 = arith.constant 0 : i32
    return %c0_i32, %arg0 : i32, i32
  }
}

</mosaic_0001>

<sc_bundles>
// kernel: kernel.5.cloned.1.call-start
scs
__scs_entry_jumppad:
0x0: {  	(pc) =	sbr.rel $0x88, $3  }
0x1: {  	(tag) =	ssettag $0x0;
	lr =	simm.s32 $0x1  }
0x2: {  	[smem:$0x3F9E] =	sst lr;
	_ =	strace $0xD0000000  }
0x3: {  	_ = 	snop  }
0x4: {  	_ = 	snop  }
0x5: {  	_ = 	snop  }
0x6: {  	_ = 	snop  }
0x7: {  	_ = 	snop  }
__scs_overlays_trampoline_lowered:
0x8: {  	[smem:$0x3FAD] =	sst s0  }
0x9: {  	[smem:$0x3FAE] =	sst s1  }
0xa: {  	[smem:$0x3FAF] =	sst s2  }
0xb: {  	[smem:$0x3FB0] =	sst s3  }
0xc: {  	[smem:$0x3FB1] =	sst s4  }
0xd: {  	[smem:$0x3FB2] =	sst s5  }
0xe: {  	[smem:$0x3FB3] =	sst s6  }
0xf: {  	[smem:$0x3FB4] =	sst s7  }
0x10: {  	[smem:$0x3FB5] =	sst s8  }
0x11: {  	[smem:$0x3FB6] =	sst s9;
	s0 =	simm.s32 @!p0 $0x0  }
0x12: {  	s1 =	sld [smem:$0x3F9C];
	s0 =	simm.s32 @p0 $0x1  }
0x13: {  	[smem:$0x3FB7] =	sst s0;
	s0 =	simm.s32 @!p1 $0x0  }
0x14: {  	s2 =	sld [smem:$0x3F9B];
	s0 =	simm.s32 @p1 $0x1  }
0x15: {  	[smem:$0x3FB8] =	sst s0;
	s0 =	simm.s32 @!p2 $0x0  }
0x16: {  	s3 =	sld [smem:$0x3FDB];
	s0 =	simm.s32 @p2 $0x1  }
0x17: {  	s4 =	simm.s32 $0x1BF5;
	[smem:$0x3FBA] =	sst s0  }
0x18: {  	s0 =	sld [smem:$0x3F9D];
	_ =	swait.ge [sflag:s4], $0x0  }
0x19: {  	s7 =	sld [smem:$0x3F9E]  }
0x1a: {  	s8 =	sadd.s32 $0xFFFFE003, lr  }
0x1b: {  	s9 =	sadd.s32 $0xFFFFFEF7, lr;
	s5 =	simm.s32 $0xFFFFFFFF;
	p2 =	slt.u32 s8, $0xFFFFF086  }
0x1c: {  	p1 =	slt.u32 s9, $0xF7A;
	s5 =	simm.s32 @!p2 $0x0  }
0x1d: {  	s5 =	simm.s32 @p1 $0x1;
	p0 =	seq.s32 s7, s2  }
0x1e: {  	s7 =	smul.u32 @!p0 $0xF7A, s2;
	p2 =	seq.s32 @!p0 s5, $0x0  }
0x1f: {  	s9 =	smul.u32 $0xF7A, s1;
	s8 =	simm.s32 @!p0 $0x1BF5;
	p2 =	por !p2, p0  }
0x20: {  	[sflag:s8] =	ssyncset.s32 @!p0 $0xFFFFF086;
	s6 =	sadd.s32 @!p0 s3, s7;
	s7 =	simm.s32 @!p0 $0x108  }
0x21: {  	s3 =	sadd.s32 s3, s9;
	s6 =	sadd.s32 @!p0 $0x88, s6;
	s7 =	simm.s32 @p2 $0x1082  }
0x22: {  	[simem:s7], [sflag:s8] =	dma.local @!p0 [hbm:s6], $0xF7A  }
0x23: {  	s9 =	sor.u32 $0xD0000000, s2;
	s6 =	simm.s32 $0x108;
	_ =	swait.ge @!p0 [sflag:s8], $0x0  }
0x24: {  	s3 =	sadd.s32 $0x88, s3;
	s6 =	simm.s32 @!p1 $0x1082;
	[sflag:s4] =	ssyncset.s32 $0xFFFFF086  }
0x25: {  	[simem:s6], [sflag:s4] =	dma.local [hbm:s3], $0xF7A  }
0x26: {  	[smem:$0x3F9E] =	sst s1;
	(tag) =	ssettag s2;
	_ =	strace s9  }
0x27: {  	s1 =	sld [smem:$0x3FAE]  }
0x28: {  	s2 =	sld [smem:$0x3FAF]  }
0x29: {  	s4 =	sld [smem:$0x3FB1]  }
0x2a: {  	p0 =	seq.s32 s5, $0x0;
	s5 =	sld [smem:$0x3FB2]  }
0x2b: {  	s6 =	sld [smem:$0x3FB3]  }
0x2c: {  	s7 =	sld [smem:$0x3FB4]  }
0x2d: {  	s3 =	simm.s32 $0x108;
	s8 =	sld [smem:$0x3FB5]  }
0x2e: {  	s3 =	simm.s32 @!p0 $0x1082;
	s9 =	sld [smem:$0x3FB6]  }
0x2f: {  	lr =	sadd.s32 s0, s3;
	s0 =	sld [smem:$0x3FAD]  }
0x30: {  	s3 =	sld [smem:$0x3FB0]  }
0x31: {  	[smem:$0x3FB9] =	sst s10  }
0x32: {  	s10 =	sld [smem:$0x3FB7];
	_ =	sdelay $0x3  }
0x33: {  	p0 =	seq.s32 s10, $0x1;
	s10 =	sld [smem:$0x3FB9];
	_ =	sdelay $0x3  }
0x34: {  	[smem:$0x3FB9] =	sst s10  }
0x35: {  	s10 =	sld [smem:$0x3FB8];
	_ =	sdelay $0x3  }
0x36: {  	p1 =	seq.s32 s10, $0x1;
	s10 =	sld [smem:$0x3FB9];
	_ =	sdelay $0x3  }
0x37: {  	[smem:$0x3FB9] =	sst s10  }
0x38: {  	s10 =	sld [smem:$0x3FBA]  }
0x39: {  	_ = 	snop;
	(pc) =	sbr.ind lr, $3  }
0x3a: {  	_ = 	snop  }
0x3b: {  	_ = 	snop  }
0x3c: {  	p2 =	seq.s32 s10, $0x1;
	s10 =	sld [smem:$0x3FB9]  }
0x3d: {  	_ =	shalt  }
0x3e: {  	_ =	shalt  }
0x3f: {  	_ =	shalt  }
0x40: {  	_ =	shalt  }
0x41: {  	_ =	shalt  }
0x42: {  	_ =	shalt  }
0x43: {  	_ =	shalt  }
0x44: {  	_ =	shalt  }
0x45: {  	_ =	shalt  }
0x46: {  	_ =	shalt  }
0x47: {  	_ =	shalt  }
0x48: {  	_ =	shalt  }
0x49: {  	_ =	shalt  }
0x4a: {  	_ =	shalt  }
0x4b: {  	_ =	shalt  }
0x4c: {  	_ =	shalt  }
0x4d: {  	_ =	shalt  }
0x4e: {  	_ =	shalt  }
0x4f: {  	_ =	shalt  }
0x50: {  	_ =	shalt  }
0x51: {  	_ =	shalt  }
0x52: {  	_ =	shalt  }
0x53: {  	_ =	shalt  }
0x54: {  	_ =	shalt  }
0x55: {  	_ =	shalt  }
0x56: {  	_ =	shalt  }
0x57: {  	_ =	shalt  }
0x58: {  	_ =	shalt  }
0x59: {  	_ =	shalt  }
0x5a: {  	_ =	shalt  }
0x5b: {  	_ =	shalt  }
0x5c: {  	_ =	shalt  }
0x5d: {  	_ =	shalt  }
0x5e: {  	_ =	shalt  }
0x5f: {  	_ =	shalt  }
0x60: {  	_ =	shalt  }
0x61: {  	_ =	shalt  }
0x62: {  	_ =	shalt  }
0x63: {  	_ =	shalt  }
0x64: {  	_ =	shalt  }
0x65: {  	_ =	shalt  }
0x66: {  	_ =	shalt  }
0x67: {  	_ =	shalt  }
0x68: {  	_ =	shalt  }
0x69: {  	_ =	shalt  }
0x6a: {  	_ =	shalt  }
0x6b: {  	_ =	shalt  }
0x6c: {  	_ =	shalt  }
0x6d: {  	_ =	shalt  }
0x6e: {  	_ =	shalt  }
0x6f: {  	_ =	shalt  }
0x70: {  	_ =	shalt  }
0x71: {  	_ =	shalt  }
0x72: {  	_ =	shalt  }
0x73: {  	_ =	shalt  }
0x74: {  	_ =	shalt  }
0x75: {  	_ =	shalt  }
0x76: {  	_ =	shalt  }
0x77: {  	_ =	shalt  }
0x78: {  	_ =	shalt  }
0x79: {  	_ =	shalt  }
0x7a: {  	_ =	shalt  }
0x7b: {  	_ =	shalt  }
0x7c: {  	_ =	shalt  }
0x7d: {  	_ =	shalt  }
0x7e: {  	_ =	shalt  }
0x7f: {  	_ =	shalt  }
0x80: {  	_ =	shalt  }
0x81: {  	_ =	shalt  }
0x82: {  	_ =	shalt  }
0x83: {  	_ =	shalt  }
0x84: {  	_ =	shalt  }
0x85: {  	_ =	shalt  }
0x86: {  	_ =	shalt  }
0x87: {  	_ =	shalt  }
.Lfunc_end0:
.L_simem_size_0:
called_computation_lowered:
.L_overlay_start_0:
0x88: {  	s2 =	sld [smem:$0x3FD9]  }
0x89: {  	s3 =	sld [smem:$0x3FFE];
	_ =	sdelay $0x1  }
0x8a: {  	s1 =	srdreg.scid  }
0x8b: {  	s0 =	sand.u32 $0x1, s1  }
0x8c: {  	s17 =	sshll.u32 s0, $0xA;
	s2 =	sadd.s32 s3, s2  }
0x8d: {  	s2 =	sadd.s32 s2, s17  }
0x8e: {  	[smem:$0x3FC5] =	sst s2  }
0x8f: {  	_ = 	snop  }
0x90: {  	s2 =	sld [smem:$0x3FC8];
	(tm) =	ssettm $0x1  }
0x91: {  	s18 =	sld [smem:$0x3FFB];
	_ =	sdelay $0x3  }
0x92: {  	_ =	strace s18  }
0x93: {  	s3 =	sld [smem:$0x3FFC];
	_ =	sdelay $0x3  }
0x94: {  	_ =	strace s3  }
0x95: {  	s3 =	sld [smem:$0x3FFD];
	_ =	sdelay $0x3  }
0x96: {  	_ =	strace s3  }
0x97: {  	_ =	strace $0x8FFFFFFF  }
0x98: {  	s19 =	sld [smem:$0x3FDB];
	_ =	sdelay $0x1  }
0x99: {  	s4 =	simm.s32 $_scs_section_size  }
0x9a: {  	s5 =	simm.s32 $_size__tile_overlayer_lowered;
	s6 =	simm.s32 $_tile_overlayer_lowered  }
0x9b: {  	s22 =	simm.s32 $0x1BFF;
	s21 =	sshll.u32 s6, $0x1;
	s3 =	sadd.s32 s4, s19  }
0x9c: {  	s7 =	simm.s32 $0x0;
	s20 =	sshll.u32 s5, $0x1;
	s5 =	sadd.s32 s21, s3  }
0x9d: {  	[timem:s7], [sflag:s22] =	dma.local [hbm:s5], s20  }
0x9e: {  	_ =	swait.ge [sflag:s22], s20  }
0x9f: {  	s4 =	ssub.s32 $0x0, s20;
	[sflag:s22] =	ssyncset.done $0x0  }
0xa0: {  	[sflag:s22] =	ssyncadd.s32 s4;
	_ =	sdelay $0x1  }
0xa1: {  	s23 =	simm.s32 $0x1B8B  }
0xa2: {  	_ =	swait.ge [sflag:s23], $0x1  }
0xa3: {  	[sflag:s23] =	ssyncset.done $0x0  }
0xa4: {  	s25 =	simm.s32 $0x1B8E;
	s24 =	sld [smem:$0x3FFE];
	[sflag:s23] =	ssyncadd.s32 $0xFFFFFFFF  }
0xa5: {  	s26 =	simm.s32 $execute0_lowered;
	[smem:$0x3FD2] =	sst s25  }
0xa6: {  	s5 =	sshll.u32 s26, $0x1;
	_ =	strace $0x80000046;
	[dreg:$0x1] =	wrdreg $0xFFFFFFFF  }
0xa7: {  	s28 =	simm.s32 $_size_execute0_lowered;
	s3 =	sadd.s32 s3, s5;
	[dreg:$0x0] =	wrdreg $0x0  }
0xa8: {  	s5 =	sshll.u32 s28, $0x1;
	[dreg:$0x2] =	wrdreg s3  }
0xa9: {  	[dreg:$0x3] =	wrdreg s5  }
0xaa: {  	[dreg:$0x4] =	wrdreg $0xC0  }
0xab: {  	_ =	task [dreg:s7], $0x5FFFF  }
0xac: {  	[dreg:$0x1] =	wrdreg $0xFFFFFFFF  }
0xad: {  	[dreg:$0x0] =	wrdreg $0x60  }
0xae: {  	[dreg:$0x2] =	wrdreg s2  }
0xaf: {  	[dreg:$0x3] =	wrdreg s24  }
0xb0: {  	[dreg:$0x4] =	wrdreg $0x102000  }
0xb1: {  	[dreg:$0x5] =	wrdreg $0x9  }
0xb2: {  	_ =	task.clear_ibuf [dreg:s7], $0x6FFFF;
	_ =	strace $0x90000046  }
0xb3: {  	s29 =	simm.s32 $0x9;
	_ =	strace $0x80000048  }
0xb4: {  	_ =	swait.ge [sflag:s29], $0x1  }
0xb5: {  	[sflag:s29] =	ssyncadd.s32 $0xFFFFFFFF  }
0xb6: {  	_ =	strace $0x90000048  }
0xb7: {  	_ =	sfence  }
0xb8: {  	s30 =	sld [smem:$0x0];
	_ =	sdelay $0x2  }
0xb9: {  	s31 =	sshll.u32 s1, $0xD;
	s1 =	sshrl.u32 s1, $0x2  }
0xba: {  	s3 =	sand.u32 $0x4000, s31;
	s1 =	sadd.s32 s1, s30  }
0xbb: {  	s0 =	sor.u32 s3, s0;
	s1 =	sshll.u32 s1, $0x11  }
0xbc: {  	s0 =	sor.u32 s1, s0  }
0xbd: {  	s0 =	sadd.s32 $0x8F2B, s0  }
0xbe: {  	[sflag:s0] =	ssyncadd.remote.s32 $0x1  }
0xbf: {  	_ =	sfence.sel $0xFFFF  }
0xc0: {  	[dreg:$0x0] =	wrdreg $0xFFFFFFFF;
	(pc) =	sbr.abs _section_cstart, $3  }
0xc1: {  	[dreg:$0x1] =	wrdreg $0xFFFFFFFF  }
0xc2: {  	_ =	task.clear_ibuf [dreg:s7], $0x2FFFF;
	_ =	strace $0x9FFFFFFF  }
0xc3: {  	(tm) =	ssettm $0x7FFFFFFF  }
tec
execute0_lowered:
.L_overlay_start_1:
0x0: {  	(tag) =	ssettag $0x1  }
0x1: {  	s3 =	rddreg [dreg:$0x0]  }
0x2: {  	s4 =	rddreg [dreg:$0x1]  }
0x3: {  	s2 =	rddreg [dreg:$0x2];
	s5 =	srdreg.scid  }
0x4: {  	s0 =	rddreg [dreg:$0x3];
	s1 =	simm.s32 $0x0;
	s5 =	sand.u32 $0x1, s5  }
0x5: {  	s6 =	stileid.u32;
	s8 =	sshll.u32 s5, $0x9;
	s5 =	ssub.s32 $0x2, s5  }
0x6: {  	s12 =	simm.s32 $0x3;
	s13 =	simm.s32 $0x4200;
	s10 =	sshrl.u32 s5, $0x1  }
0x7: {  	s14 =	simm.s32 $0x100;
	s15 =	simm.s32 $0x180;
	s5 =	ssub.s32 s5, s10  }
0x8: {  	s16 =	simm.s32 $0xC200;
	p1 =	por $0x0, $0x0;
	s31 =	smax.u32 s5, $0x1  }
0x9: {  	[smem:$0x7FF] =	sst s1;
	s7 =	sshll.u32 s6, $0xA;
	s20 =	sadd.s32 $0xFFFFFFFF, s31  }
0xa: {  	s9 =	sadd.s32 $0x1600, s4;
	p0 =	sne.s32 s6, $0x0;
	p2 =	sne.s32 s20, $0x0  }
.Ltmp0:
0xb: {  	s6 =	simm.s32 $0x2;
	s7 =	sor.u32 s8, s7;
	(pc) =	sbr.rel @!p2 .LBB2_3-.Ltmp0, $4  }
0xc: {  	_ =	strace $0x80000047;
	s17 =	sshrl.u32 @!p0 s2, $0x3;
	s8 =	sshll.u32 s7, $0x4  }
0xd: {  	s7 =	sshrl.u32 s7, $0x3;
	s10 =	simm.s32 $0x80;
	s8 =	sadd.s32 s8, s4  }
0xe: {  	s11 =	sadd.s32 s3, s7;
	s7 =	simm.s32 $0x200;
	s5 =	simm.s32 $0x8200  }
0xf: {  	s4 =	sadd.s32 $0x5600, s8;
	s3 =	sadd.s32 $0x6600, s8;
	s8 =	simm.s32 $0x1  }
0x10: {  	s18 =	simm.s32 @!p0 $0x1C03;
	s19 =	simm.s32 @!p0 $0x3  }
0x11: {  	[spmem:s17], [sflag:s18] =	dma.local @!p0 [hbm:s9], $0x3E80  }
0x12: {  	_ =	swait.ge @!p0 [sflag:s19], $0x3E80  }
0x13: {  	[sflag:s19] =	ssyncset.done @!p0 $0x0  }
0x14: {  	[sflag:s19] =	ssyncadd.s32 @!p0 $0xFFFFC180  }
0x15: {  	[tilespmem:s1], [sflag:$0x3] =	stream.linear.gather [hbm4b:s11+s1], $0x200, $0x38;
	[tilespmem:$0x12140] =	vst v63  }
0x16: {  	_ =	swait.ge [sflag:s12], $0x200  }
0x17: {  	[sflag:s12] =	ssyncset.done $0x0  }
0x18: {  	[sflag:s12] =	ssyncadd.s32 $0xFFFFFE00  }
0x19: {  	[bflag:$0x0] =	sbarrier.arrive $0xFFFF  }
0x1a: {  	[tilespmem:s7], [sflag:$0x1] =	stream.indirect.gather [spmem:s2], $0x80, s1, s10, $0xb8;
	[tilespmem:$0x12140] =	vst v63  }
0x1b: {  	_ = 	snop  }
0x1c: {  	[tilespmem:s13], [sflag:$0x1] =	stream.indirect.gather [spmem:s2], $0x80, s10, s10, $0xb8;
	[tilespmem:$0x12140] =	vst v63  }
0x1d: {  	_ = 	snop  }
0x1e: {  	[tilespmem:s5], [sflag:$0x1] =	stream.indirect.gather [spmem:s2], $0x80, s14, s10, $0xb8;
	[tilespmem:$0x12140] =	vst v63  }
0x1f: {  	_ = 	snop  }
0x20: {  	[tilespmem:s16], [sflag:$0x1] =	stream.indirect.gather [spmem:s2], $0x80, s15, s10, $0xb8;
	[tilespmem:$0x12140] =	vst v63  }
0x21: {  	_ =	swait.ge [sflag:s8], $0x4000  }
0x22: {  	[sflag:s8] =	ssyncset.done $0x0  }
0x23: {  	[sflag:s8] =	ssyncadd.s32 $0xFFFFC000  }
0x24: {  	_ =	swait.ge [sflag:s8], $0x4000  }
0x25: {  	[sflag:s8] =	ssyncset.done $0x0  }
0x26: {  	[sflag:s8] =	ssyncadd.s32 $0xFFFFC000  }
0x27: {  	[hbm4b:s4+s1] =	stream.linear.scatter [tilespmem:s7], [sflag:$0x2], $0x8000, $0x38;
	[tilespmem:$0x12140] =	vst v63  }
0x28: {  	_ =	swait.ge [sflag:s8], $0x4000  }
0x29: {  	[sflag:s8] =	ssyncset.done $0x0  }
0x2a: {  	[sflag:s8] =	ssyncadd.s32 $0xFFFFC000  }
0x2b: {  	_ =	swait.ge [sflag:s8], $0x4000  }
0x2c: {  	s20 =	sadd.s32 $0xFFFFFFFF, s20;
	[sflag:s8] =	ssyncset.done $0x0  }
0x2d: {  	p2 =	sne.s32 s20, $0x0;
	[sflag:s8] =	ssyncadd.s32 $0xFFFFC000  }
0x2e: {  	[hbm4b:s3+s1] =	stream.linear.scatter [tilespmem:s5], [sflag:$0x2], $0x8000, $0x38;
	[tilespmem:$0x12140] =	vst v63  }
.Ltmp1:
0x2f: {  	_ =	swait.ge [sflag:s6], $0x8000;
	(pc) =	sbr.rel @!p2 .LBB2_3-.Ltmp1, $4  }
0x30: {  	[sflag:s6] =	ssyncset.done $0x0  }
0x31: {  	[sflag:s6] =	ssyncadd.s32 $0xFFFF8000  }
0x32: {  	_ =	swait.ge [sflag:s6], $0x8000  }
0x33: {  	p1 =	por $0x1, $0x1;
	[sflag:s6] =	ssyncset.done $0x0  }
.LBB2_2:
0x34: {  	[sflag:s6] =	ssyncadd.s32 $0xFFFF8000  }
0x35: {  	[spmem:s17], [sflag:s18] =	dma.local @!p0 [hbm:s9], $0x3E80  }
0x36: {  	s20 =	sadd.s32 $0xFFFFFFFF, s20;
	_ =	swait.ge @!p0 [sflag:s19], $0x3E80  }
0x37: {  	p2 =	sne.s32 s20, $0x0;
	[sflag:s19] =	ssyncset.done @!p0 $0x0  }
0x38: {  	[sflag:s19] =	ssyncadd.s32 @!p0 $0xFFFFC180  }
0x39: {  	[tilespmem:s1], [sflag:$0x3] =	stream.linear.gather [hbm4b:s11+s1], $0x200, $0x38;
	[tilespmem:$0x12140] =	vst v63  }
0x3a: {  	_ =	swait.ge [sflag:s12], $0x200  }
0x3b: {  	[sflag:s12] =	ssyncset.done $0x0  }
0x3c: {  	[sflag:s12] =	ssyncadd.s32 $0xFFFFFE00  }
0x3d: {  	[bflag:$0x0] =	sbarrier.arrive $0xFFFF  }
0x3e: {  	[tilespmem:s7], [sflag:$0x1] =	stream.indirect.gather [spmem:s2], $0x80, s1, s10, $0xb8;
	[tilespmem:$0x12140] =	vst v63  }
0x3f: {  	_ = 	snop  }
0x40: {  	[tilespmem:s13], [sflag:$0x1] =	stream.indirect.gather [spmem:s2], $0x80, s10, s10, $0xb8;
	[tilespmem:$0x12140] =	vst v63  }
0x41: {  	_ = 	snop  }
0x42: {  	[tilespmem:s5], [sflag:$0x1] =	stream.indirect.gather [spmem:s2], $0x80, s14, s10, $0xb8;
	[tilespmem:$0x12140] =	vst v63  }
0x43: {  	_ = 	snop  }
0x44: {  	[tilespmem:s16], [sflag:$0x1] =	stream.indirect.gather [spmem:s2], $0x80, s15, s10, $0xb8;
	[tilespmem:$0x12140] =	vst v63  }
0x45: {  	_ =	swait.ge [sflag:s8], $0x4000  }
0x46: {  	[sflag:s8] =	ssyncset.done $0x0  }
0x47: {  	[sflag:s8] =	ssyncadd.s32 $0xFFFFC000  }
0x48: {  	_ =	swait.ge [sflag:s8], $0x4000  }
0x49: {  	[sflag:s8] =	ssyncset.done $0x0  }
0x4a: {  	[sflag:s8] =	ssyncadd.s32 $0xFFFFC000  }
0x4b: {  	[hbm4b:s4+s1] =	stream.linear.scatter [tilespmem:s7], [sflag:$0x2], $0x8000, $0x38;
	[tilespmem:$0x12140] =	vst v63  }
0x4c: {  	_ =	swait.ge [sflag:s8], $0x4000  }
0x4d: {  	[sflag:s8] =	ssyncset.done $0x0  }
0x4e: {  	[sflag:s8] =	ssyncadd.s32 $0xFFFFC000  }
0x4f: {  	_ =	swait.ge [sflag:s8], $0x4000  }
0x50: {  	[sflag:s8] =	ssyncset.done $0x0  }
0x51: {  	[sflag:s8] =	ssyncadd.s32 $0xFFFFC000  }
0x52: {  	[hbm4b:s3+s1] =	stream.linear.scatter [tilespmem:s5], [sflag:$0x2], $0x8000, $0x38;
	[tilespmem:$0x12140] =	vst v63  }
.Ltmp2:
0x53: {  	_ =	swait.ge [sflag:s6], $0x8000;
	(pc) =	sbr.rel @p2 .LBB2_2-.Ltmp2, $4  }
0x54: {  	[sflag:s6] =	ssyncset.done $0x0  }
0x55: {  	[sflag:s6] =	ssyncadd.s32 $0xFFFF8000  }
0x56: {  	_ =	swait.ge [sflag:s6], $0x8000  }
0x57: {  	[sflag:s6] =	ssyncset.done $0x0  }
.LBB2_3:
0x58: {  	s18 =	simm.s32 @!p0 $0x1C03;
	s19 =	simm.s32 @!p0 $0x3;
	[sflag:s6] =	ssyncadd.s32 @p1 $0xFFFF8000  }
0x59: {  	[spmem:s17], [sflag:s18] =	dma.local @!p0 [hbm:s9], $0x3E80  }
0x5a: {  	_ =	swait.ge @!p0 [sflag:s19], $0x3E80  }
0x5b: {  	[sflag:s19] =	ssyncset.done @!p0 $0x0  }
0x5c: {  	[sflag:s19] =	ssyncadd.s32 @!p0 $0xFFFFC180  }
0x5d: {  	[tilespmem:s1], [sflag:$0x3] =	stream.linear.gather [hbm4b:s11+s1], $0x200, $0x38;
	[tilespmem:$0x12140] =	vst v63  }
0x5e: {  	_ =	swait.ge [sflag:s12], $0x200  }
0x5f: {  	[sflag:s12] =	ssyncset.done $0x0  }
0x60: {  	[sflag:s12] =	ssyncadd.s32 $0xFFFFFE00  }
0x61: {  	[bflag:$0x0] =	sbarrier.arrive $0xFFFF  }
0x62: {  	[tilespmem:s7], [sflag:$0x1] =	stream.indirect.gather [spmem:s2], $0x80, s1, s10, $0xb8;
	[tilespmem:$0x12140] =	vst v63  }
0x63: {  	_ = 	snop  }
0x64: {  	[tilespmem:s13], [sflag:$0x1] =	stream.indirect.gather [spmem:s2], $0x80, s10, s10, $0xb8;
	[tilespmem:$0x12140] =	vst v63  }
0x65: {  	_ = 	snop  }
0x66: {  	[tilespmem:s5], [sflag:$0x1] =	stream.indirect.gather [spmem:s2], $0x80, s14, s10, $0xb8;
	[tilespmem:$0x12140] =	vst v63  }
0x67: {  	_ = 	snop  }
0x68: {  	[tilespmem:s16], [sflag:$0x1] =	stream.indirect.gather [spmem:s2], $0x80, s15, s10, $0xb8;
	[tilespmem:$0x12140] =	vst v63  }
0x69: {  	_ =	swait.ge [sflag:s8], $0x4000  }
0x6a: {  	[sflag:s8] =	ssyncset.done $0x0  }
0x6b: {  	[sflag:s8] =	ssyncadd.s32 $0xFFFFC000  }
0x6c: {  	_ =	swait.ge [sflag:s8], $0x4000  }
0x6d: {  	[sflag:s8] =	ssyncset.done $0x0  }
0x6e: {  	[sflag:s8] =	ssyncadd.s32 $0xFFFFC000  }
0x6f: {  	[hbm4b:s4+s1] =	stream.linear.scatter [tilespmem:s7], [sflag:$0x2], $0x8000, $0x38;
	[tilespmem:$0x12140] =	vst v63  }
0x70: {  	_ =	swait.ge [sflag:s8], $0x4000  }
0x71: {  	[sflag:s8] =	ssyncset.done $0x0  }
0x72: {  	[sflag:s8] =	ssyncadd.s32 $0xFFFFC000  }
0x73: {  	_ =	swait.ge [sflag:s8], $0x4000  }
0x74: {  	[sflag:s8] =	ssyncset.done $0x0  }
0x75: {  	[sflag:s8] =	ssyncadd.s32 $0xFFFFC000  }
0x76: {  	[hbm4b:s3+s1] =	stream.linear.scatter [tilespmem:s5], [sflag:$0x2], $0x8000, $0x38;
	[tilespmem:$0x12140] =	vst v63  }
0x77: {  	_ =	swait.ge [sflag:s6], $0x8000  }
0x78: {  	[sflag:s6] =	ssyncset.done $0x0  }
0x79: {  	[sflag:s6] =	ssyncadd.s32 $0xFFFF8000  }
0x7a: {  	_ =	swait.ge [sflag:s6], $0x8000  }
0x7b: {  	[sflag:s6] =	ssyncset.done $0x0  }
0x7c: {  	[sflag:s6] =	ssyncadd.s32 $0xFFFF8000  }
0x7d: {  	_ =	sfence.sel $0x180000  }
0x7e: {  	[bflag:$0x0] =	sbarrier.arrive $0xFFFF  }
0x7f: {  	_ =	strace $0x90000047  }
0x80: {  	s0 =	sadd.s32 @!p0 $0x100000, s0;
	[bflag:$0x2] =	sbarrier.arrive $0xFFFF  }
0x81: {  	[sflag:s0] =	ssyncadd.tile.s32 @!p0 $0x1;
	_ =	shalt  }
.Lfunc_end2:
_tile_overlayer_lowered:
.L_overlay_start_2:
0x82: {  	(tag) =	ssettag $0x2  }
0x83: {  	s0 =	rddreg [dreg:$0x0];
	s2 =	stileid.u32  }
0x84: {  	s1 =	rddreg [dreg:$0x1];
	p0 =	sne.s32 s2, $0x0  }
0x85: {  	s3 =	rddreg [dreg:$0x2];
	[bflag:$0x3] =	sbarrier.arrive $0xFFFF;
	s2 =	simm.s32 @!p0 $0x1C03  }
0x86: {  	[timem:s3], [sflag:s2] =	dma.local @!p0 [hbm:s0], s1  }
0x87: {  	s0 =	simm.s32 @!p0 $0x3  }
0x88: {  	_ =	swait.ge @!p0 [sflag:s0], s1  }
0x89: {  	s1 =	ssub.s32 @!p0 $0x0, s1;
	[sflag:s0] =	ssyncset.done @!p0 $0x0  }
0x8a: {  	[sflag:s0] =	ssyncadd.s32 @!p0 s1  }
0x8b: {  	[bflag:$0x3] =	sbarrier.arrive $0xFFFF  }
0x8c: {  	_ =	shalt  }

</sc_bundles>
